<compile_context>
chip_gen: v7x
topology: tpu7x:2x2x1
jax: 0.10.2.dev20260603
libtpu: 0.0.44.dev20260713+nightly
codegen_flags: <defaults>
</compile_context>

<pallas_src>
import functools

import jax
import jax.numpy as jnp
import numpy as np
from jax.experimental import pallas as pl
from jax.experimental.pallas import tpu as pltpu
from jax.experimental.pallas import tpu_sc as plsc

NN = 10000
EE = 160000
NLAYER = 6
D = 256
NHEAD = 8
HDIM = 32
NBATCH = 64

NW = 32
EPW = EE // NW
CH = 200
NCHK = EPW // CH
NP = 10240
NPW = NP // 16

NBLK = 10
BN = NN // NBLK
EBLK = 160
BE = EE // EBLK



def _sc_mesh():
    return plsc.VectorSubcoreMesh(core_axis_name="c", subcore_axis_name="s",
                                  num_cores=2, num_subcores=16)


@functools.partial(jax.jit, static_argnums=(2,))
def _sc_gather(table, idx3, d):

    @functools.partial(
        pl.kernel,
        mesh=_sc_mesh(),
        out_type=jax.ShapeDtypeStruct((EE, d), jnp.float32),
        scratch_types=[
            pltpu.VMEM((CH,), jnp.int32),
            pltpu.VMEM((CH, d), jnp.float32),
            pltpu.VMEM_SHARED((NP, d), jnp.float32),
            pltpu.SemaphoreType.DMA,
            pltpu.SemaphoreType.DMA,
        ],
    )
    def k(table_hbm, idx_hbm, out_hbm, idx_v, rows_v, table_sh, sg, ss):
        cid = jax.lax.axis_index("c")
        sid = jax.lax.axis_index("s")
        wid = sid * 2 + cid
        pltpu.sync_copy(table_hbm.at[pl.ds(sid * NPW, NPW)],
                        table_sh.at[pl.ds(sid * NPW, NPW)])
        plsc.subcore_barrier()

        def body(j, carry):
            pltpu.sync_copy(idx_hbm.at[wid, j], idx_v)
            pltpu.async_copy(table_sh.at[idx_v], rows_v, sg).wait()
            pltpu.sync_copy(rows_v, out_hbm.at[pl.ds(wid * EPW + j * CH, CH)])
            return carry

        jax.lax.fori_loop(0, NCHK, body, 0)

    return k(table, idx3)


@functools.partial(jax.jit, static_argnums=(3,))
def _sc_scatter_add(vals, idx3, zeros, d):

    @functools.partial(
        pl.kernel,
        mesh=_sc_mesh(),
        out_type=jax.ShapeDtypeStruct((2 * NP, d), jnp.float32),
        scratch_types=[
            pltpu.VMEM((CH,), jnp.int32),
            pltpu.VMEM((CH, d), jnp.float32),
            pltpu.VMEM_SHARED((NP, d), jnp.float32),
        ],
    )
    def k(vals_hbm, idx_hbm, zeros_hbm, out_hbm, idx_v, chunk_v, shared):
        cid = jax.lax.axis_index("c")
        sid = jax.lax.axis_index("s")
        wid = sid * 2 + cid
        pltpu.sync_copy(zeros_hbm, shared.at[pl.ds(sid * NPW, NPW)])
        plsc.subcore_barrier()

        def body(j, carry):
            pltpu.sync_copy(idx_hbm.at[wid, j], idx_v)
            pltpu.sync_copy(vals_hbm.at[pl.ds(wid * EPW + j * CH, CH)], chunk_v)
            pltpu.sync_copy(chunk_v, shared.at[idx_v], add=True)
            return carry

        jax.lax.fori_loop(0, NCHK, body, 0)
        plsc.subcore_barrier()
        pltpu.sync_copy(
            shared.at[pl.ds(sid * NPW, NPW)],
            out_hbm.at[pl.ds(cid * NP + sid * NPW, NPW)],
        )

    return k(vals, idx3, zeros)



def _ln(z, g, b):
    mu = jnp.mean(z, axis=-1, keepdims=True)
    zc = z - mu
    var = jnp.mean(zc * zc, axis=-1, keepdims=True)
    return zc * jax.lax.rsqrt(var + 1e-5) * g + b


def _silu(z):
    return z * jax.nn.sigmoid(z)


def _head_mask():
    row = jax.lax.broadcasted_iota(jnp.int32, (D, 128), 0) // HDIM
    col = jax.lax.broadcasted_iota(jnp.int32, (D, 128), 1)
    return (row == col).astype(jnp.float32)


def _embed_body(an_ref, t_ref, b_ref, g_ref, bb_ref, o_ref):
    anrow = an_ref[0]
    ohT = (jax.lax.broadcasted_iota(jnp.int32, (120, BN), 0) == anrow).astype(
        jnp.float32)
    z = jax.lax.dot_general(ohT, t_ref[...], (((0,), (0,)), ((), ())),
                            preferred_element_type=jnp.float32,
                            precision=jax.lax.Precision.HIGHEST)
    z = z + b_ref[0:1, :]
    z = _ln(z, g_ref[0:1, :], bb_ref[0:1, :])
    o_ref[...] = _silu(z)


def _rbf_body(ps_ref, pd_ref, c_ref, w_ref, o_ref):
    dv = ps_ref[...] - pd_ref[...]
    d2 = jnp.sum(dv * dv, axis=1, keepdims=True)
    dist = jnp.sqrt(d2)
    gamma = 0.5 / (w_ref[0:1, :] * w_ref[0:1, :])
    diff = dist - c_ref[0:1, :]
    rbf = jnp.exp(-gamma * diff * diff)
    cut = 0.5 * (jnp.cos(dist * (np.pi / 10.0)) + 1.0)
    cut = cut * (dist < 10.0).astype(jnp.float32)
    o_ref[...] = rbf * cut


def _pre_body(x_ref, g_ref, b_ref, wq_ref, bq_ref, wk_ref, bk_ref,
              wv_ref, bv_ref, h_o, qlo_o, qhi_o, klo_o, khi_o, vlo_o, vhi_o):
    h = _ln(x_ref[...], g_ref[0:1, :], b_ref[0:1, :])
    h_o[...] = h
    q = h @ wq_ref[...] + bq_ref[0:1, :]
    qlo_o[...] = q[:, :128]
    qhi_o[...] = q[:, 128:]
    k = h @ wk_ref[...] + bk_ref[0:1, :]
    klo_o[...] = k[:, :128]
    khi_o[...] = k[:, 128:]
    v = h @ wv_ref[...] + bv_ref[0:1, :]
    vlo_o[...] = v[:, :128]
    vhi_o[...] = v[:, 128:]


def _edge_body(qdlo_ref, qdhi_ref, kslo_ref, kshi_ref, vslo_ref, vshi_ref,
               attr_ref, we_ref, ulo_o, uhi_o, w_o):
    e = attr_ref[...] @ we_ref[...]
    mask = _head_mask()
    qd = jnp.concatenate([qdlo_ref[...], qdhi_ref[...]], axis=1)
    ks = jnp.concatenate([kslo_ref[...], kshi_ref[...]], axis=1)
    vs = jnp.concatenate([vslo_ref[...], vshi_ref[...]], axis=1)
    t = qd * (ks + e)
    a = jax.lax.dot_general(t, mask, (((1,), (0,)), ((), ())),
                            preferred_element_type=jnp.float32,
                            precision=jax.lax.Precision.HIGHEST)
    a = a * (1.0 / np.sqrt(float(HDIM)))
    w = jnp.exp(a)
    lane = jax.lax.broadcasted_iota(jnp.int32, (BE, 128), 1)
    w = jnp.where(lane < NHEAD, w, 0.0)
    w_o[...] = w
    wb = jax.lax.dot_general(w, mask, (((1,), (1,)), ((), ())),
                             preferred_element_type=jnp.float32,
                             precision=jax.lax.Precision.HIGHEST)
    u = (vs + e) * wb
    ulo_o[...] = u[:, :128]
    uhi_o[...] = u[:, 128:]


def _post_body(x_ref, h_ref, ua_ref, ub_ref, ws_ref, alpha_ref, wsk_ref,
               bsk_ref, g2_ref, b2_ref, w1_ref, b1_ref, w2_ref, b2f_ref, x_o):
    mask = _head_mask()
    wsum = ws_ref[0] + ws_ref[1]
    wb = jax.lax.dot_general(wsum, mask, (((1,), (1,)), ((), ())),
                             preferred_element_type=jnp.float32,
                             precision=jax.lax.Precision.HIGHEST)
    num = jnp.concatenate([ua_ref[0] + ua_ref[1], ub_ref[0] + ub_ref[1]],
                          axis=1)
    attn = num / (wb + 1e-16)
    attn = attn * alpha_ref[0] + h_ref[...] @ wsk_ref[...] + bsk_ref[0:1, :]
    x = x_ref[...] + attn
    h2 = _ln(x, g2_ref[0:1, :], b2_ref[0:1, :])
    h2 = _silu(h2 @ w1_ref[...] + b1_ref[0:1, :])
    x = x + h2 @ w2_ref[...] + b2f_ref[0:1, :]
    x_o[...] = x


def _final_body(x4_ref, x5_ref, x6_ref, bt_ref, ew1_ref, eb1_ref, ew2_ref,
                eb2_ref, fw1_ref, fb1_ref, fw2_ref, fb2_ref,
                xm_o, f_o, en_o):
    i = pl.program_id(0)
    xm = (x4_ref[...] + x5_ref[...] + x6_ref[...]) * (1.0 / 3.0)
    xm_o[...] = xm
    he = _silu(xm @ ew1_ref[...] + eb1_ref[0:1, :])
    ae = he @ ew2_ref[...] + eb2_ref[0:1, :]
    hf = _silu(xm @ fw1_ref[...] + fb1_ref[0:1, :])
    f_o[...] = hf @ fw2_ref[...] + fb2_ref[0:1, :]
    btrow = bt_ref[0]
    ohT = (jax.lax.broadcasted_iota(jnp.int32, (NBATCH, BN), 0)
           == btrow).astype(jnp.float32)
    ec = jax.lax.dot_general(ohT, ae, (((1,), (0,)), ((), ())),
                             preferred_element_type=jnp.float32,
                             precision=jax.lax.Precision.HIGHEST)

    @pl.when(i == 0)
    def _init():
        en_o[...] = jnp.zeros_like(en_o)

    en_o[...] += jnp.broadcast_to(ec, (NBATCH, 8))


def _vspec(shape):
    return pl.BlockSpec(shape, lambda i: (0,) * len(shape))


def _rspec(shape):
    return pl.BlockSpec(shape, lambda i: (i,) + (0,) * (len(shape) - 1))



def kernel(atomic_numbers, pos, edge_index, batch, params):
    p = params
    f32 = jnp.float32

    def t8(v):
        return jnp.tile(v.reshape(1, -1).astype(f32), (8, 1))

    src = edge_index[0].astype(jnp.int32)
    dst = edge_index[1].astype(jnp.int32)
    src3 = src.reshape(NW, NCHK, CH)
    dst3 = dst.reshape(NW, NCHK, CH)
    an3 = atomic_numbers.astype(jnp.int32).reshape(NBLK, 1, BN)
    bt3 = batch.astype(jnp.int32).reshape(NBLK, 1, BN)
    pos128 = jnp.pad(pos.astype(f32), ((0, NP - NN), (0, 125)))

    table = jnp.concatenate(
        [p['elem_emb'], p['radius_emb'], p['en_emb'], p['ie_emb']], axis=1)
    table = jnp.pad(table, ((0, 1), (0, 5)))
    projw = jnp.pad(p['proj_W'], ((0, 5), (0, 0)))
    tproj = table @ projw

    wsk = p['Wskip'] * p['alpha'][:, None, None]
    bsk = p['bskip'] * p['alpha'][:, None]

    zeros128 = jnp.zeros((NPW, 128), f32)

    nodef = jax.ShapeDtypeStruct((NN, D), f32)

    x = pl.pallas_call(
        _embed_body,
        grid=(NBLK,),
        in_specs=[
            pl.BlockSpec((1, 1, BN), lambda i: (i, 0, 0)),
            _vspec((120, D)),
            _vspec((8, D)), _vspec((8, D)), _vspec((8, D)),
        ],
        out_specs=_rspec((BN, D)),
        out_shape=nodef,
    )(an3, tproj, t8(p['proj_b']), t8(p['proj_ln_g']), t8(p['proj_ln_b']))

    ps = _sc_gather(pos128, src3, 128)
    pd = _sc_gather(pos128, dst3, 128)

    attr = pl.pallas_call(
        _rbf_body,
        grid=(EBLK,),
        in_specs=[
            _rspec((BE, 128)), _rspec((BE, 128)),
            _vspec((8, D)), _vspec((8, D)),
        ],
        out_specs=_rspec((BE, D)),
        out_shape=jax.ShapeDtypeStruct((EE, D), f32),
    )(ps, pd, t8(p['rbf_centers']), t8(p['rbf_widths']))

    feats = []
    for l in range(NLAYER):
        halff = jax.ShapeDtypeStruct((NP, 128), f32)
        h, qlo, qhi, klo, khi, vlo, vhi = pl.pallas_call(
            _pre_body,
            grid=(NBLK,),
            in_specs=[
                _rspec((BN, D)),
                _vspec((8, D)), _vspec((8, D)),
                _vspec((D, D)), _vspec((8, D)),
                _vspec((D, D)), _vspec((8, D)),
                _vspec((D, D)), _vspec((8, D)),
            ],
            out_specs=[_rspec((BN, D))] + [_rspec((BN, 128))] * 6,
            out_shape=[nodef] + [halff] * 6,
        )(x, t8(p['n1_g'][l]), t8(p['n1_b'][l]),
          p['Wq'][l], t8(p['bq'][l]), p['Wk'][l], t8(p['bk'][l]),
          p['Wv'][l], t8(p['bv'][l]))

        qdlo = _sc_gather(qlo, dst3, 128)
        qdhi = _sc_gather(qhi, dst3, 128)
        kslo = _sc_gather(klo, src3, 128)
        kshi = _sc_gather(khi, src3, 128)
        vslo = _sc_gather(vlo, src3, 128)
        vshi = _sc_gather(vhi, src3, 128)

        edgef = jax.ShapeDtypeStruct((EE, 128), f32)
        ulo, uhi, w128 = pl.pallas_call(
            _edge_body,
            grid=(EBLK,),
            in_specs=[_rspec((BE, 128))] * 6 + [
                _rspec((BE, D)), _vspec((D, D)),
            ],
            out_specs=[_rspec((BE, 128))] * 3,
            out_shape=[edgef] * 3,
        )(qdlo, qdhi, kslo, kshi, vslo, vshi, attr, p['We'][l])

        ua = _sc_scatter_add(ulo, dst3, zeros128, 128).reshape(2, NP, 128)
        ub = _sc_scatter_add(uhi, dst3, zeros128, 128).reshape(2, NP, 128)
        ws = _sc_scatter_add(w128, dst3, zeros128, 128).reshape(2, NP, 128)

        x = pl.pallas_call(
            _post_body,
            grid=(NBLK,),
            in_specs=[
                _rspec((BN, D)), _rspec((BN, D)),
                pl.BlockSpec((2, BN, 128), lambda i: (0, i, 0)),
                pl.BlockSpec((2, BN, 128), lambda i: (0, i, 0)),
                pl.BlockSpec((2, BN, 128), lambda i: (0, i, 0)),
                pl.BlockSpec(memory_space=pltpu.SMEM),
                _vspec((D, D)), _vspec((8, D)),
                _vspec((8, D)), _vspec((8, D)),
                _vspec((D, 4 * D)), _vspec((8, 4 * D)),
                _vspec((4 * D, D)), _vspec((8, D)),
            ],
            out_specs=_rspec((BN, D)),
            out_shape=nodef,
        )(x, h, ua, ub, ws, p['alpha'][l].reshape(1),
          wsk[l], t8(bsk[l]), t8(p['n2_g'][l]), t8(p['n2_b'][l]),
          p['f_W1'][l], t8(p['f_b1'][l]), p['f_W2'][l], t8(p['f_b2'][l]))
        feats.append(x)

    xm, forces, en = pl.pallas_call(
        _final_body,
        grid=(NBLK,),
        in_specs=[
            _rspec((BN, D)), _rspec((BN, D)), _rspec((BN, D)),
            pl.BlockSpec((1, 1, BN), lambda i: (i, 0, 0)),
            _vspec((D, D)), _vspec((8, D)),
            _vspec((D, 1)), _vspec((8, 1)),
            _vspec((D, D)), _vspec((8, D)),
            _vspec((D, 3)), _vspec((8, 3)),
        ],
        out_specs=[_rspec((BN, D)), _rspec((BN, 3)),
                   pl.BlockSpec((NBATCH, 8), lambda i: (0, 0))],
        out_shape=[nodef,
                   jax.ShapeDtypeStruct((NN, 3), f32),
                   jax.ShapeDtypeStruct((NBATCH, 8), f32)],
    )(feats[3], feats[4], feats[5], bt3,
      p['e_W1'], t8(p['e_b1']), p['e_W2'], t8(p['e_b2']),
      p['fr_W1'], t8(p['fr_b1']), p['fr_W2'], t8(p['fr_b2']))

    return en[:, 0], forces, xm

# --- scband reference (transcript-rebuilt; emitter-appended) ---
"""Pipeline reference for scband-pretrained-gnn-7275674599646 (READ-ONLY COPY).

The authoritative reference and input builder live on the scoring server;
editing this copy changes nothing except your own understanding.
"""

import jax, jax.numpy as jnp
import numpy as np

N, E, L, DH, HEADS, HD, B = 10000, 160000, 6, 256, 8, 32, 64

def layer_norm(x, g, b):
    mu = jnp.mean(x, axis=-1, keepdims=True)
    var = jnp.var(x, axis=-1, keepdims=True)
    return (x - mu) / jnp.sqrt(var + 1e-5) * g + b

def setup_inputs(seed: int = 0):
    key = jax.random.key(seed)
    ks = iter(jax.random.split(key, 80))
    atomic_numbers = jax.random.randint(next(ks), (N,), 0, 119)
    pos = jax.random.normal(next(ks), (N, 3), dtype=jnp.float32)
    edge_index = jax.random.randint(next(ks), (2, E), 0, N)
    batch = jnp.sort(jax.random.randint(next(ks), (N,), 0, B))
    def lin(k, i, o):
        return (jax.random.normal(k, (i, o), dtype=jnp.float32) / np.sqrt(i)).astype(jnp.float32)
    def lins(k, i, o):
        return (jax.random.normal(k, (L, i, o), dtype=jnp.float32) / np.sqrt(i)).astype(jnp.float32)
    params = {
        'elem_emb': jax.random.normal(next(ks), (119, 128), dtype=jnp.float32) * 0.05,
        'radius_emb': 1.0 + 0.1 * jax.random.normal(next(ks), (119, 1), dtype=jnp.float32),
        'en_emb': 2.5 + 0.5 * jax.random.normal(next(ks), (119, 1), dtype=jnp.float32),
        'ie_emb': 10.0 + 2.0 * jax.random.normal(next(ks), (119, 1), dtype=jnp.float32),
        'proj_W': lin(next(ks), 131, DH), 'proj_b': jnp.zeros((DH,), jnp.float32),
        'proj_ln_g': jnp.ones((DH,), jnp.float32), 'proj_ln_b': jnp.zeros((DH,), jnp.float32),
        'rbf_centers': jnp.linspace(0.0, 10.0, DH).astype(jnp.float32),
        'rbf_widths': jnp.ones((DH,), jnp.float32) * 0.5,
        'n1_g': jnp.ones((L, DH), jnp.float32), 'n1_b': jnp.zeros((L, DH), jnp.float32),
        'Wq': lins(next(ks), DH, DH), 'bq': jnp.zeros((L, DH), jnp.float32),
        'Wk': lins(next(ks), DH, DH), 'bk': jnp.zeros((L, DH), jnp.float32),
        'Wv': lins(next(ks), DH, DH), 'bv': jnp.zeros((L, DH), jnp.float32),
        'We': lins(next(ks), DH, DH),
        'Wskip': lins(next(ks), DH, DH), 'bskip': jnp.zeros((L, DH), jnp.float32),
        'alpha': jnp.ones((L,), jnp.float32),
        'n2_g': jnp.ones((L, DH), jnp.float32), 'n2_b': jnp.zeros((L, DH), jnp.float32),
        'f_W1': lins(next(ks), DH, 4 * DH), 'f_b1': jnp.zeros((L, 4 * DH), jnp.float32),
        'f_W2': lins(next(ks), 4 * DH, DH), 'f_b2': jnp.zeros((L, DH), jnp.float32),
        'e_W1': lin(next(ks), DH, DH), 'e_b1': jnp.zeros((DH,), jnp.float32),
        'e_W2': lin(next(ks), DH, 1), 'e_b2': jnp.zeros((1,), jnp.float32),
        'fr_W1': lin(next(ks), DH, DH), 'fr_b1': jnp.zeros((DH,), jnp.float32),
        'fr_W2': lin(next(ks), DH, 3), 'fr_b2': jnp.zeros((3,), jnp.float32),
    }
    return {'atomic_numbers': atomic_numbers, 'pos': pos, 'edge_index': edge_index, 'batch': batch, 'params': params}

def forward_fn(pos, params, atomic_numbers, edge_index, batch):
    p = params
    an = atomic_numbers
    # AtomEmbedding + atom_proj
    x = jnp.concatenate([p['elem_emb'][an], p['radius_emb'][an], p['en_emb'][an], p['ie_emb'][an]], axis=-1)
    x = jax.nn.silu(layer_norm(x @ p['proj_W'] + p['proj_b'], p['proj_ln_g'], p['proj_ln_b']))
    src, dst = edge_index[0], edge_index[1]
    # DistanceExpansion (Gaussian RBF + cosine cutoff)
    edge_vec = pos[src] - pos[dst]
    d = jnp.linalg.norm(edge_vec, axis=-1)
    gamma = 1.0 / (2.0 * p['rbf_widths'] ** 2)
    rbf = jnp.exp(-gamma * (d[:, None] - p['rbf_centers']) ** 2)
    cut = 0.5 * (jnp.cos(np.pi * d / 10.0) + 1.0) * (d < 10.0).astype(jnp.float32)
    edge_attr = rbf * cut[:, None]
    feats = [x]
    for l in range(L):
        # InteractionBlock: pre-norm + TransformerConv attention
        h = layer_norm(x, p['n1_g'][l], p['n1_b'][l])
        q = (h @ p['Wq'][l] + p['bq'][l]).reshape(N, HEADS, HD)
        k = (h @ p['Wk'][l] + p['bk'][l]).reshape(N, HEADS, HD)
        v = (h @ p['Wv'][l] + p['bv'][l]).reshape(N, HEADS, HD)
        e = (edge_attr @ p['We'][l]).reshape(E, HEADS, HD)
        k_j = k[src] + e
        a = jnp.sum(q[dst] * k_j, axis=-1) / jnp.sqrt(float(HD))  # [E, HEADS]
        amax = jax.ops.segment_max(a, dst, num_segments=N)
        a = jnp.exp(a - amax[dst])
        denom = jax.ops.segment_sum(a, dst, num_segments=N)
        a = a / (denom[dst] + 1e-16)
        msg = (v[src] + e) * a[:, :, None]
        attn = jax.ops.segment_sum(msg, dst, num_segments=N).reshape(N, DH)
        attn = attn + h @ p['Wskip'][l] + p['bskip'][l]
        x = x + p['alpha'][l] * attn
        h2 = layer_norm(x, p['n2_g'][l], p['n2_b'][l])
        h2 = jax.nn.silu(h2 @ p['f_W1'][l] + p['f_b1'][l]) @ p['f_W2'][l] + p['f_b2'][l]
        x = x + h2
        feats.append(x)
    x = jnp.mean(jnp.stack(feats[-3:], axis=0), axis=0)
    ae = jax.nn.silu(x @ p['e_W1'] + p['e_b1']) @ p['e_W2'] + p['e_b2']
    energy = jax.ops.segment_sum(ae, batch, num_segments=B).squeeze(-1)
    forces = jax.nn.silu(x @ p['fr_W1'] + p['fr_b1']) @ p['fr_W2'] + p['fr_b2']
    return energy, forces, x

def reference(atomic_numbers, pos, edge_index, batch, params):
    return forward_fn(pos, params, atomic_numbers, edge_index, batch)

if __name__ == "__main__":
    import jax
    _d = setup_inputs()
    print(jax.jit(kernel)(*tuple(_d.values())))

</pallas_src>

<mosaic_0001>
#map = affine_map<(d0, d1) -> (0, 0)>
#map1 = affine_map<(d0, d1) -> (0, 0, 0)>
module attributes {stable_mosaic.version = 14 : i64} {
  func.func @k(%arg0: i32, %arg1: i32, %arg2: memref<10240x128xf32, #tpu.memory_space<hbm>>, %arg3: memref<32x25x200xi32, #tpu.memory_space<hbm>>, %arg4: memref<160000x128xf32, #tpu.memory_space<hbm>>, %arg5: memref<200xi32, #tpu.memory_space<vmem>>, %arg6: memref<200x128xf32, #tpu.memory_space<vmem>>, %arg7: memref<10240x128xf32, #tpu.memory_space<vmem_shared>>, %arg8: memref<!tpu.dma_semaphore, #tpu.memory_space<semaphore_mem>>, %arg9: memref<!tpu.dma_semaphore, #tpu.memory_space<semaphore_mem>>) attributes {dimension_semantics = [#tpu.dimension_semantics<core_parallel>, #tpu.dimension_semantics<subcore_parallel>], iteration_bounds = array<i64: 2, 16>, scalar_prefetch = 0 : i64, scratch_operands = 5 : i64, tpu.core_type = #tpu.core_type<sc_vector_subcore>, window_params = [{transform_indices = #map}, {transform_indices = #map1}, {transform_indices = #map}]} {
    %mul3A = arith.constant 2 : i32
    %mul3A_0 = arith.muli %arg1, %mul3A : i32
    %add3A = arith.addi %mul3A_0, %arg0 : i32
    %mul3A_1 = arith.constant 640 : i32
    %mul3A_2 = arith.muli %arg1, %mul3A_1 : i32
    %mul3A_3 = arith.constant 640 : i32
    %mul3A_4 = arith.muli %arg1, %mul3A_3 : i32
    "tpu.region"() ({
      %run_scoped3A = tpu.sem_alloc : memref<!tpu.dma_semaphore, #tpu.memory_space<semaphore_mem>>
      %dma_start3A = arith.constant 0 : i32
      %dma_start3A_10 = tpu.memref_slice %arg7[%mul3A_4, %dma_start3A] : memref<10240x128xf32, #tpu.memory_space<vmem_shared>> -> memref<640x128xf32, #tpu.memory_space<vmem_shared>>
      %dma_start3A_11 = arith.constant 0 : i32
      %dma_start3A_12 = tpu.memref_slice %arg2[%mul3A_2, %dma_start3A_11] : memref<10240x128xf32, #tpu.memory_space<hbm>> -> memref<640x128xf32, #tpu.memory_space<hbm>>
      tpu.enqueue_dma source(%dma_start3A_12 : memref<640x128xf32, #tpu.memory_space<hbm>>) target(%dma_start3A_10 : memref<640x128xf32, #tpu.memory_space<vmem_shared>>) target_semaphore(%run_scoped3A : memref<!tpu.dma_semaphore, #tpu.memory_space<semaphore_mem>>)
      %dma_wait3A = arith.constant 0 : i32
      %dma_wait3A_13 = tpu.memref_slice %arg7[%mul3A_4, %dma_wait3A] : memref<10240x128xf32, #tpu.memory_space<vmem_shared>> -> memref<640x128xf32, #tpu.memory_space<vmem_shared>>
      %dma_wait3A_14 = arith.constant 0 : i32
      %dma_wait3A_15 = tpu.memref_slice %arg2[%mul3A_2, %dma_wait3A_14] : memref<10240x128xf32, #tpu.memory_space<hbm>> -> memref<640x128xf32, #tpu.memory_space<hbm>>
      tpu.wait_dma2 semaphore(%run_scoped3A : memref<!tpu.dma_semaphore, #tpu.memory_space<semaphore_mem>>) src(%dma_wait3A_15 : memref<640x128xf32, #tpu.memory_space<hbm>>) dst(%dma_wait3A_13 : memref<640x128xf32, #tpu.memory_space<vmem_shared>>)
      tpu.yield
    }) : () -> ()
    %barrier3A = arith.constant 0 : index
    tpu.barrier barrier_id(%barrier3A)
    %scan3A = arith.constant 0 : i32
    %scan3A_5 = arith.constant 0 : i32
    %scan3A_6 = arith.constant 25 : i32
    %scan3A_7 = arith.addi %scan3A_5, %scan3A_6 : i32
    %scan3A_8 = arith.constant 1 : i32
    scf.for %scan3A_10 = %scan3A_5 to %scan3A_7 step %scan3A_8  : i32 {
      "tpu.region"() ({
        %run_scoped3A = tpu.sem_alloc : memref<!tpu.dma_semaphore, #tpu.memory_space<semaphore_mem>>
        %dma_start3A_20 = arith.constant 0 : i32
        %dma_start3A_21 = tpu.memref_slice %arg3[%add3A, %scan3A_10, %dma_start3A_20] : memref<32x25x200xi32, #tpu.memory_space<hbm>> -> memref<1x1x200xi32, #tpu.memory_space<hbm>>
        %dma_start3A_22 = tpu.memref_squeeze %dma_start3A_21 : memref<1x1x200xi32, #tpu.memory_space<hbm>> -> memref<200xi32, #tpu.memory_space<hbm>>
        %dma_start3A_23 = arith.constant 0 : i32
        %dma_start3A_24 = tpu.memref_slice %arg3[%add3A, %scan3A_10, %dma_start3A_23] : memref<32x25x200xi32, #tpu.memory_space<hbm>> -> memref<1x1x200xi32, #tpu.memory_space<hbm>>
        %dma_start3A_25 = tpu.memref_squeeze %dma_start3A_24 : memref<1x1x200xi32, #tpu.memory_space<hbm>> -> memref<200xi32, #tpu.memory_space<hbm>>
        tpu.enqueue_dma source(%dma_start3A_25 : memref<200xi32, #tpu.memory_space<hbm>>) target(%arg5 : memref<200xi32, #tpu.memory_space<vmem>>) target_semaphore(%run_scoped3A : memref<!tpu.dma_semaphore, #tpu.memory_space<semaphore_mem>>)
        %dma_wait3A_26 = arith.constant 0 : i32
        %dma_wait3A_27 = tpu.memref_slice %arg3[%add3A, %scan3A_10, %dma_wait3A_26] : memref<32x25x200xi32, #tpu.memory_space<hbm>> -> memref<1x1x200xi32, #tpu.memory_space<hbm>>
        %dma_wait3A_28 = tpu.memref_squeeze %dma_wait3A_27 : memref<1x1x200xi32, #tpu.memory_space<hbm>> -> memref<200xi32, #tpu.memory_space<hbm>>
        %dma_wait3A_29 = arith.constant 0 : i32
        %dma_wait3A_30 = tpu.memref_slice %arg3[%add3A, %scan3A_10, %dma_wait3A_29] : memref<32x25x200xi32, #tpu.memory_space<hbm>> -> memref<1x1x200xi32, #tpu.memory_space<hbm>>
        %dma_wait3A_31 = tpu.memref_squeeze %dma_wait3A_30 : memref<1x1x200xi32, #tpu.memory_space<hbm>> -> memref<200xi32, #tpu.memory_space<hbm>>
        tpu.wait_dma2 semaphore(%run_scoped3A : memref<!tpu.dma_semaphore, #tpu.memory_space<semaphore_mem>>) src(%dma_wait3A_31 : memref<200xi32, #tpu.memory_space<hbm>>) dst(%arg5 : memref<200xi32, #tpu.memory_space<vmem>>)
        tpu.yield
      }) : () -> ()
      %dma_start3A = arith.constant 0 : i32
      %dma_start3A_11 = arith.constant 0 : i32
      %dma_start3A_12 = tpu.memref_slice %arg7[%dma_start3A, %dma_start3A_11] : memref<10240x128xf32, #tpu.memory_space<vmem_shared>> -> memref<10240x128xf32, #tpu.memory_space<vmem_shared>>
      tpu.enqueue_indirect_dma source(%dma_start3A_12 : memref<10240x128xf32, #tpu.memory_space<vmem_shared>>) target(%arg6 : memref<200x128xf32, #tpu.memory_space<vmem>>) offsets(%arg5 : memref<200xi32, #tpu.memory_space<vmem>>) semaphore(%arg8 : memref<!tpu.dma_semaphore, #tpu.memory_space<semaphore_mem>>)
      %dma_wait3A = arith.constant 0 : i32
      %dma_wait3A_13 = arith.constant 0 : i32
      %dma_wait3A_14 = tpu.memref_slice %arg7[%dma_wait3A, %dma_wait3A_13] : memref<10240x128xf32, #tpu.memory_space<vmem_shared>> -> memref<10240x128xf32, #tpu.memory_space<vmem_shared>>
      tpu.wait_indirect_dma semaphore(%arg8 : memref<!tpu.dma_semaphore, #tpu.memory_space<semaphore_mem>>) src(%dma_wait3A_14 : memref<10240x128xf32, #tpu.memory_space<vmem_shared>>) dst(%arg6 : memref<200x128xf32, #tpu.memory_space<vmem>>)
      %mul3A_15 = arith.constant 5000 : i32
      %mul3A_16 = arith.muli %add3A, %mul3A_15 : i32
      %mul3A_17 = arith.constant 200 : i32
      %mul3A_18 = arith.muli %scan3A_10, %mul3A_17 : i32
      %add3A_19 = arith.addi %mul3A_16, %mul3A_18 : i32
      "tpu.region"() ({
        %run_scoped3A = tpu.sem_alloc : memref<!tpu.dma_semaphore, #tpu.memory_space<semaphore_mem>>
        %dma_start3A_20 = arith.constant 0 : i32
        %dma_start3A_21 = tpu.memref_slice %arg4[%add3A_19, %dma_start3A_20] : memref<160000x128xf32, #tpu.memory_space<hbm>> -> memref<200x128xf32, #tpu.memory_space<hbm>>
        %dma_start3A_22 = arith.constant 0 : i32
        %dma_start3A_23 = tpu.memref_slice %arg4[%add3A_19, %dma_start3A_22] : memref<160000x128xf32, #tpu.memory_space<hbm>> -> memref<200x128xf32, #tpu.memory_space<hbm>>
        tpu.enqueue_dma source(%arg6 : memref<200x128xf32, #tpu.memory_space<vmem>>) target(%dma_start3A_23 : memref<200x128xf32, #tpu.memory_space<hbm>>) target_semaphore(%run_scoped3A : memref<!tpu.dma_semaphore, #tpu.memory_space<semaphore_mem>>)
        %dma_wait3A_24 = arith.constant 0 : i32
        %dma_wait3A_25 = tpu.memref_slice %arg4[%add3A_19, %dma_wait3A_24] : memref<160000x128xf32, #tpu.memory_space<hbm>> -> memref<200x128xf32, #tpu.memory_space<hbm>>
        %dma_wait3A_26 = arith.constant 0 : i32
        %dma_wait3A_27 = tpu.memref_slice %arg4[%add3A_19, %dma_wait3A_26] : memref<160000x128xf32, #tpu.memory_space<hbm>> -> memref<200x128xf32, #tpu.memory_space<hbm>>
        tpu.wait_dma2 semaphore(%run_scoped3A : memref<!tpu.dma_semaphore, #tpu.memory_space<semaphore_mem>>) src(%arg6 : memref<200x128xf32, #tpu.memory_space<vmem>>) dst(%dma_wait3A_27 : memref<200x128xf32, #tpu.memory_space<hbm>>)
        tpu.yield
      }) : () -> ()
    }
    %scan3A_9 = arith.constant 25 : i32
    return
  }
}

</mosaic_0001>

<sc_bundles>
// kernel: _sc_gather.3.cloned.1.call-start
scs
__scs_entry_jumppad:
0x0: {  	(pc) =	sbr.rel $0x88, $3  }
0x1: {  	(tag) =	ssettag $0x0;
	lr =	simm.s32 $0x1  }
0x2: {  	[smem:$0x3F9F] =	sst lr;
	_ =	strace $0xD0000000  }
0x3: {  	_ = 	snop  }
0x4: {  	_ = 	snop  }
0x5: {  	_ = 	snop  }
0x6: {  	_ = 	snop  }
0x7: {  	_ = 	snop  }
__scs_overlays_trampoline_lowered:
0x8: {  	[smem:$0x3FAE] =	sst s0  }
0x9: {  	[smem:$0x3FAF] =	sst s1  }
0xa: {  	[smem:$0x3FB0] =	sst s2  }
0xb: {  	[smem:$0x3FB1] =	sst s3  }
0xc: {  	[smem:$0x3FB2] =	sst s4  }
0xd: {  	[smem:$0x3FB3] =	sst s5  }
0xe: {  	[smem:$0x3FB4] =	sst s6  }
0xf: {  	[smem:$0x3FB5] =	sst s7  }
0x10: {  	[smem:$0x3FB6] =	sst s8  }
0x11: {  	[smem:$0x3FB7] =	sst s9;
	s0 =	simm.s32 @!p0 $0x0  }
0x12: {  	s1 =	sld [smem:$0x3F9D];
	s0 =	simm.s32 @p0 $0x1  }
0x13: {  	[smem:$0x3FB8] =	sst s0;
	s0 =	simm.s32 @!p1 $0x0  }
0x14: {  	s2 =	sld [smem:$0x3F9C];
	s0 =	simm.s32 @p1 $0x1  }
0x15: {  	[smem:$0x3FB9] =	sst s0;
	s0 =	simm.s32 @!p2 $0x0  }
0x16: {  	s3 =	sld [smem:$0x3FDB];
	s0 =	simm.s32 @p2 $0x1  }
0x17: {  	s4 =	simm.s32 $0x1BF5;
	[smem:$0x3FBB] =	sst s0  }
0x18: {  	s0 =	sld [smem:$0x3F9E];
	_ =	swait.ge [sflag:s4], $0x0  }
0x19: {  	s7 =	sld [smem:$0x3F9F]  }
0x1a: {  	s8 =	sadd.s32 $0xFFFFE003, lr  }
0x1b: {  	s9 =	sadd.s32 $0xFFFFFEF7, lr;
	s5 =	simm.s32 $0xFFFFFFFF;
	p2 =	slt.u32 s8, $0xFFFFF086  }
0x1c: {  	p1 =	slt.u32 s9, $0xF7A;
	s5 =	simm.s32 @!p2 $0x0  }
0x1d: {  	s5 =	simm.s32 @p1 $0x1;
	p0 =	seq.s32 s7, s2  }
0x1e: {  	s7 =	smul.u32 @!p0 $0xF7A, s2;
	p2 =	seq.s32 @!p0 s5, $0x0  }
0x1f: {  	s9 =	smul.u32 $0xF7A, s1;
	s8 =	simm.s32 @!p0 $0x1BF5;
	p2 =	por !p2, p0  }
0x20: {  	[sflag:s8] =	ssyncset.s32 @!p0 $0xFFFFF086;
	s6 =	sadd.s32 @!p0 s3, s7;
	s7 =	simm.s32 @!p0 $0x108  }
0x21: {  	s3 =	sadd.s32 s3, s9;
	s6 =	sadd.s32 @!p0 $0x88, s6;
	s7 =	simm.s32 @p2 $0x1082  }
0x22: {  	[simem:s7], [sflag:s8] =	dma.local @!p0 [hbm:s6], $0xF7A  }
0x23: {  	s9 =	sor.u32 $0xD0000000, s2;
	s6 =	simm.s32 $0x108;
	_ =	swait.ge @!p0 [sflag:s8], $0x0  }
0x24: {  	s3 =	sadd.s32 $0x88, s3;
	s6 =	simm.s32 @!p1 $0x1082;
	[sflag:s4] =	ssyncset.s32 $0xFFFFF086  }
0x25: {  	[simem:s6], [sflag:s4] =	dma.local [hbm:s3], $0xF7A  }
0x26: {  	[smem:$0x3F9F] =	sst s1;
	(tag) =	ssettag s2;
	_ =	strace s9  }
0x27: {  	s1 =	sld [smem:$0x3FAF]  }
0x28: {  	s2 =	sld [smem:$0x3FB0]  }
0x29: {  	s4 =	sld [smem:$0x3FB2]  }
0x2a: {  	p0 =	seq.s32 s5, $0x0;
	s5 =	sld [smem:$0x3FB3]  }
0x2b: {  	s6 =	sld [smem:$0x3FB4]  }
0x2c: {  	s7 =	sld [smem:$0x3FB5]  }
0x2d: {  	s3 =	simm.s32 $0x108;
	s8 =	sld [smem:$0x3FB6]  }
0x2e: {  	s3 =	simm.s32 @!p0 $0x1082;
	s9 =	sld [smem:$0x3FB7]  }
0x2f: {  	lr =	sadd.s32 s0, s3;
	s0 =	sld [smem:$0x3FAE]  }
0x30: {  	s3 =	sld [smem:$0x3FB1]  }
0x31: {  	[smem:$0x3FBA] =	sst s10  }
0x32: {  	s10 =	sld [smem:$0x3FB8];
	_ =	sdelay $0x3  }
0x33: {  	p0 =	seq.s32 s10, $0x1;
	s10 =	sld [smem:$0x3FBA];
	_ =	sdelay $0x3  }
0x34: {  	[smem:$0x3FBA] =	sst s10  }
0x35: {  	s10 =	sld [smem:$0x3FB9];
	_ =	sdelay $0x3  }
0x36: {  	p1 =	seq.s32 s10, $0x1;
	s10 =	sld [smem:$0x3FBA];
	_ =	sdelay $0x3  }
0x37: {  	[smem:$0x3FBA] =	sst s10  }
0x38: {  	s10 =	sld [smem:$0x3FBB]  }
0x39: {  	_ = 	snop;
	(pc) =	sbr.ind lr, $3  }
0x3a: {  	_ = 	snop  }
0x3b: {  	_ = 	snop  }
0x3c: {  	p2 =	seq.s32 s10, $0x1;
	s10 =	sld [smem:$0x3FBA]  }
0x3d: {  	_ =	shalt  }
0x3e: {  	_ =	shalt  }
0x3f: {  	_ =	shalt  }
0x40: {  	_ =	shalt  }
0x41: {  	_ =	shalt  }
0x42: {  	_ =	shalt  }
0x43: {  	_ =	shalt  }
0x44: {  	_ =	shalt  }
0x45: {  	_ =	shalt  }
0x46: {  	_ =	shalt  }
0x47: {  	_ =	shalt  }
0x48: {  	_ =	shalt  }
0x49: {  	_ =	shalt  }
0x4a: {  	_ =	shalt  }
0x4b: {  	_ =	shalt  }
0x4c: {  	_ =	shalt  }
0x4d: {  	_ =	shalt  }
0x4e: {  	_ =	shalt  }
0x4f: {  	_ =	shalt  }
0x50: {  	_ =	shalt  }
0x51: {  	_ =	shalt  }
0x52: {  	_ =	shalt  }
0x53: {  	_ =	shalt  }
0x54: {  	_ =	shalt  }
0x55: {  	_ =	shalt  }
0x56: {  	_ =	shalt  }
0x57: {  	_ =	shalt  }
0x58: {  	_ =	shalt  }
0x59: {  	_ =	shalt  }
0x5a: {  	_ =	shalt  }
0x5b: {  	_ =	shalt  }
0x5c: {  	_ =	shalt  }
0x5d: {  	_ =	shalt  }
0x5e: {  	_ =	shalt  }
0x5f: {  	_ =	shalt  }
0x60: {  	_ =	shalt  }
0x61: {  	_ =	shalt  }
0x62: {  	_ =	shalt  }
0x63: {  	_ =	shalt  }
0x64: {  	_ =	shalt  }
0x65: {  	_ =	shalt  }
0x66: {  	_ =	shalt  }
0x67: {  	_ =	shalt  }
0x68: {  	_ =	shalt  }
0x69: {  	_ =	shalt  }
0x6a: {  	_ =	shalt  }
0x6b: {  	_ =	shalt  }
0x6c: {  	_ =	shalt  }
0x6d: {  	_ =	shalt  }
0x6e: {  	_ =	shalt  }
0x6f: {  	_ =	shalt  }
0x70: {  	_ =	shalt  }
0x71: {  	_ =	shalt  }
0x72: {  	_ =	shalt  }
0x73: {  	_ =	shalt  }
0x74: {  	_ =	shalt  }
0x75: {  	_ =	shalt  }
0x76: {  	_ =	shalt  }
0x77: {  	_ =	shalt  }
0x78: {  	_ =	shalt  }
0x79: {  	_ =	shalt  }
0x7a: {  	_ =	shalt  }
0x7b: {  	_ =	shalt  }
0x7c: {  	_ =	shalt  }
0x7d: {  	_ =	shalt  }
0x7e: {  	_ =	shalt  }
0x7f: {  	_ =	shalt  }
0x80: {  	_ =	shalt  }
0x81: {  	_ =	shalt  }
0x82: {  	_ =	shalt  }
0x83: {  	_ =	shalt  }
0x84: {  	_ =	shalt  }
0x85: {  	_ =	shalt  }
0x86: {  	_ =	shalt  }
0x87: {  	_ =	shalt  }
.Lfunc_end0:
.L_simem_size_0:
called_computation_lowered:
.L_overlay_start_0:
0x88: {  	s2 =	sld [smem:$0x3FD9]  }
0x89: {  	s3 =	sld [smem:$0x3FFE];
	_ =	sdelay $0x1  }
0x8a: {  	s1 =	srdreg.scid  }
0x8b: {  	s0 =	sand.u32 $0x1, s1  }
0x8c: {  	s17 =	sshll.u32 s0, $0xA;
	s2 =	sadd.s32 s3, s2  }
0x8d: {  	s2 =	sadd.s32 s2, s17  }
0x8e: {  	[smem:$0x3FC6] =	sst s2  }
0x8f: {  	_ = 	snop  }
0x90: {  	s2 =	sld [smem:$0x3FC9]  }
0x91: {  	s18 =	sld [smem:$0x3FD0];
	(tm) =	ssettm $0x1  }
0x92: {  	s4 =	sld [smem:$0x3FFB];
	_ =	sdelay $0x3  }
0x93: {  	_ =	strace s4  }
0x94: {  	s4 =	sld [smem:$0x3FFC];
	_ =	sdelay $0x3  }
0x95: {  	_ =	strace s4  }
0x96: {  	s4 =	sld [smem:$0x3FFD];
	_ =	sdelay $0x3  }
0x97: {  	_ =	strace s4  }
0x98: {  	_ =	strace $0x8FFFFFFF  }
0x99: {  	s19 =	sld [smem:$0x3FDB];
	_ =	sdelay $0x1  }
0x9a: {  	s5 =	simm.s32 $_scs_section_size  }
0x9b: {  	s6 =	simm.s32 $_size__tile_overlayer_lowered;
	s7 =	simm.s32 $_tile_overlayer_lowered  }
0x9c: {  	s22 =	simm.s32 $0x1BFF;
	s21 =	sshll.u32 s7, $0x1;
	s4 =	sadd.s32 s5, s19  }
0x9d: {  	s8 =	simm.s32 $0x0;
	s20 =	sshll.u32 s6, $0x1;
	s6 =	sadd.s32 s21, s4  }
0x9e: {  	[timem:s8], [sflag:s22] =	dma.local [hbm:s6], s20  }
0x9f: {  	_ =	swait.ge [sflag:s22], s20  }
0xa0: {  	s5 =	ssub.s32 $0x0, s20;
	[sflag:s22] =	ssyncset.done $0x0  }
0xa1: {  	[sflag:s22] =	ssyncadd.s32 s5;
	_ =	sdelay $0x1  }
0xa2: {  	s23 =	simm.s32 $0x1B8B  }
0xa3: {  	_ =	swait.ge [sflag:s23], $0x1  }
0xa4: {  	[sflag:s23] =	ssyncset.done $0x0  }
0xa5: {  	s25 =	simm.s32 $0x1B8E;
	s24 =	sld [smem:$0x3FFE];
	[sflag:s23] =	ssyncadd.s32 $0xFFFFFFFF  }
0xa6: {  	s26 =	simm.s32 $execute0_lowered;
	[smem:$0x3FD2] =	sst s25  }
0xa7: {  	s6 =	sshll.u32 s26, $0x1;
	_ =	strace $0x80000046;
	[dreg:$0x1] =	wrdreg $0xFFFFFFFF  }
0xa8: {  	s28 =	simm.s32 $_size_execute0_lowered;
	s4 =	sadd.s32 s4, s6;
	[dreg:$0x0] =	wrdreg $0x0  }
0xa9: {  	s6 =	sshll.u32 s28, $0x1;
	[dreg:$0x2] =	wrdreg s4  }
0xaa: {  	[dreg:$0x3] =	wrdreg s6  }
0xab: {  	[dreg:$0x4] =	wrdreg $0xC0  }
0xac: {  	_ =	task [dreg:s8], $0x5FFFF  }
0xad: {  	[dreg:$0x1] =	wrdreg $0xFFFFFFFF  }
0xae: {  	[dreg:$0x0] =	wrdreg $0x60  }
0xaf: {  	[dreg:$0x2] =	wrdreg s2  }
0xb0: {  	[dreg:$0x3] =	wrdreg s24  }
0xb1: {  	[dreg:$0x4] =	wrdreg s18  }
0xb2: {  	[dreg:$0x5] =	wrdreg $0x65000  }
0xb3: {  	[dreg:$0x6] =	wrdreg $0x9  }
0xb4: {  	_ =	task.clear_ibuf [dreg:s8], $0x7FFFF;
	_ =	strace $0x90000046  }
0xb5: {  	s29 =	simm.s32 $0x9;
	_ =	strace $0x80000048  }
0xb6: {  	_ =	swait.ge [sflag:s29], $0x1  }
0xb7: {  	[sflag:s29] =	ssyncadd.s32 $0xFFFFFFFF  }
0xb8: {  	_ =	strace $0x90000048  }
0xb9: {  	_ =	sfence  }
0xba: {  	s30 =	sld [smem:$0x0];
	_ =	sdelay $0x2  }
0xbb: {  	s31 =	sshll.u32 s1, $0xD;
	s1 =	sshrl.u32 s1, $0x2  }
0xbc: {  	s3 =	sand.u32 $0x4000, s31;
	s1 =	sadd.s32 s1, s30  }
0xbd: {  	s0 =	sor.u32 s3, s0;
	s1 =	sshll.u32 s1, $0x11  }
0xbe: {  	s0 =	sor.u32 s1, s0  }
0xbf: {  	s0 =	sadd.s32 $0x8F2B, s0  }
0xc0: {  	[sflag:s0] =	ssyncadd.remote.s32 $0x1  }
0xc1: {  	_ =	sfence.sel $0xFFFF  }
0xc2: {  	[dreg:$0x0] =	wrdreg $0xFFFFFFFF;
	(pc) =	sbr.abs _section_cstart, $3  }
0xc3: {  	[dreg:$0x1] =	wrdreg $0xFFFFFFFF  }
0xc4: {  	_ =	task.clear_ibuf [dreg:s8], $0x2FFFF;
	_ =	strace $0x9FFFFFFF  }
0xc5: {  	(tm) =	ssettm $0x7FFFFFFF  }
tec
execute0_lowered:
.L_overlay_start_1:
0x0: {  	(tag) =	ssettag $0x1  }
0x1: {  	s4 =	rddreg [dreg:$0x0]  }
0x2: {  	s5 =	rddreg [dreg:$0x1]  }
0x3: {  	s8 =	rddreg [dreg:$0x2]  }
0x4: {  	s2 =	rddreg [dreg:$0x3]  }
0x5: {  	s0 =	rddreg [dreg:$0x4];
	s6 =	srdreg.scid  }
0x6: {  	s3 =	simm.s32 $0x0;
	s1 =	stileid.u32;
	s13 =	simm.s32 $0xC8  }
0x7: {  	s14 =	simm.s32 $0x100;
	s15 =	simm.s32 $0x1;
	s16 =	simm.s32 $0x0  }
0x8: {  	s6 =	sand.u32 $0x1, s6;
	[smem:$0x7FF] =	sst s3;
	s10 =	smul.u32 $0x50000, s1  }
0x9: {  	s7 =	sshll.u32 s1, $0xB;
	s29 =	smul.u32 $0x2800, s1;
	s30 =	sshll.u32 s1, $0x6  }
0xa: {  	s12 =	smul.u32 $0x27100, s1;
	s9 =	sshll.u32 s6, $0xA;
	s25 =	ssub.s32 $0x2, s6  }
0xb: {  	_ =	strace $0x80000047;
	s31 =	smul.u32 $0x13880, s6;
	s7 =	sor.u32 s9, s7  }
0xc: {  	s26 =	sshrl.u32 s25, $0x1;
	s28 =	sshrl.u32 s10, $0x2;
	s4 =	sadd.s32 s4, s29  }
0xd: {  	s8 =	sadd.s32 s12, s8;
	s10 =	simm.s32 $0x2;
	s12 =	simm.s32 $0x400  }
0xe: {  	s7 =	sadd.s32 s7, s5;
	s9 =	ssub.s32 s25, s26;
	s11 =	sadd.s32 s28, s2  }
0xf: {  	s5 =	sor.u32 $0x1C02, s30;
	s8 =	sadd.s32 s31, s8;
	s6 =	sadd.s32 $0x400, s7  }
0x10: {  	s7 =	smax.u32 s9, $0x1;
	s9 =	sshrl.u32 s11, $0x3;
	s11 =	simm.s32 $0x80  }
.LBB2_1:
0x11: {  	[spmem:s9], [sflag:s5] =	dma.local [hbm:s4], $0x2800  }
0x12: {  	_ =	swait.ge [sflag:s10], $0x2800  }
0x13: {  	s17 =	sand.u32 $0x300, s3;
	[sflag:s10] =	ssyncset.done $0x0  }
0x14: {  	s18 =	sand.u32 $0x70, s3;
	s17 =	sadd.s32 s17, s6;
	[sflag:s10] =	ssyncadd.s32 $0xFFFFD800  }
0x15: {  	s17 =	sadd.s32 s18, s17;
	[bflag:$0x0] =	sbarrier.arrive $0xFFFF  }
0x16: {  	[tilespmem:s3], [sflag:$0x2] =	stream.strided.gather [hbm4b:s17+s11], $0x100, s12, s11, $0x38;
	[tilespmem:$0x1A500] =	vst v63  }
0x17: {  	_ =	swait.ge [sflag:s10], $0x100  }
0x18: {  	[sflag:s10] =	ssyncset.done $0x0  }
0x19: {  	[sflag:s10] =	ssyncadd.s32 $0xFFFFFF00  }
0x1a: {  	[tilespmem:s14], [sflag:$0x1] =	stream.indirect.gather [spmem:s2], $0x80, s3, s13, $0xb8;
	[tilespmem:$0x1A500] =	vst v63  }
0x1b: {  	_ =	swait.ge [sflag:s15], $0x6400  }
0x1c: {  	s31 =	simm.s32 $0x20;
	[sflag:s15] =	ssyncset.done $0x0  }
0x1d: {  	s19 =	simm.s32 $0x40;
	s21 =	sand.u32 $0x300, s31;
	[sflag:s15] =	ssyncadd.s32 $0xFFFF9C00  }
0x1e: {  	[hbm4b:s8+s3] =	stream.linear.scatter [tilespmem:s14], [sflag:$0x2], $0x6400, $0x38;
	[tilespmem:$0x1A500] =	vst v63  }
0x1f: {  	s18 =	simm.s32 $0x10;
	s21 =	sadd.s32 s21, s6;
	_ =	swait.ge [sflag:s10], $0x6400  }
0x20: {  	s20 =	sand.u32 $0x70, s18;
	s17 =	sadd.s32 $0xC80, s8;
	[sflag:s10] =	ssyncset.done $0x0  }
.LBB2_2:
0x21: {  	s20 =	sadd.s32 s20, s21;
	[sflag:s10] =	ssyncadd.s32 $0xFFFF9C00  }
0x22: {  	s21 =	smov.u32 s19;
	s22 =	sadd.s32 $0x20, s19;
	s23 =	smov.u32 s17  }
0x23: {  	[tilespmem:s3], [sflag:$0x2] =	stream.strided.gather [hbm4b:s20+s11], $0x100, s12, s11, $0x38;
	[tilespmem:$0x1A500] =	vst v63  }
0x24: {  	p0 =	sne.s32 s19, $0x300;
	_ =	swait.ge [sflag:s10], $0x100  }
0x25: {  	[sflag:s10] =	ssyncset.done $0x0  }
0x26: {  	[sflag:s10] =	ssyncadd.s32 $0xFFFFFF00  }
0x27: {  	[tilespmem:s14], [sflag:$0x1] =	stream.indirect.gather [spmem:s2], $0x80, s3, s13, $0xb8;
	[tilespmem:$0x1A500] =	vst v63  }
0x28: {  	_ =	swait.ge [sflag:s15], $0x6400  }
.Ltmp0:
0x29: {  	[sflag:s15] =	ssyncset.done $0x0;
	(pc) =	sbr.rel @p0 .LBB2_2-.Ltmp0, $4  }
0x2a: {  	s17 =	sadd.s32 $0xC80, s17;
	s18 =	sadd.s32 $0x10, s18;
	[sflag:s15] =	ssyncadd.s32 $0xFFFF9C00  }
0x2b: {  	[hbm4b:s23+s3] =	stream.linear.scatter [tilespmem:s14], [sflag:$0x2], $0x6400, $0x38;
	[tilespmem:$0x1A500] =	vst v63  }
0x2c: {  	s19 =	sand.u32 $0x300, s21;
	s20 =	sand.u32 $0x70, s18;
	_ =	swait.ge [sflag:s10], $0x6400  }
0x2d: {  	s21 =	sadd.s32 s19, s6;
	s19 =	smov.u32 s22;
	[sflag:s10] =	ssyncset.done $0x0  }
0x2e: {  	s18 =	sadd.s32 s20, s21;
	[sflag:s10] =	ssyncadd.s32 $0xFFFF9C00  }
0x2f: {  	[tilespmem:s3], [sflag:$0x2] =	stream.strided.gather [hbm4b:s18+s11], $0x100, s12, s11, $0x38;
	[tilespmem:$0x1A500] =	vst v63  }
0x30: {  	_ =	swait.ge [sflag:s10], $0x100  }
0x31: {  	[sflag:s10] =	ssyncset.done $0x0  }
0x32: {  	[sflag:s10] =	ssyncadd.s32 $0xFFFFFF00  }
0x33: {  	[tilespmem:s14], [sflag:$0x1] =	stream.indirect.gather [spmem:s2], $0x80, s3, s13, $0xb8;
	[tilespmem:$0x1A500] =	vst v63  }
0x34: {  	s16 =	sadd.s32 $0x1, s16;
	_ =	swait.ge [sflag:s15], $0x6400  }
0x35: {  	p0 =	sne.s32 s16, s7;
	[sflag:s15] =	ssyncset.done $0x0  }
.Ltmp1:
0x36: {  	[sflag:s15] =	ssyncadd.s32 $0xFFFF9C00;
	(pc) =	sbr.rel @p0 .LBB2_1-.Ltmp1, $4  }
0x37: {  	[hbm4b:s17+s3] =	stream.linear.scatter [tilespmem:s14], [sflag:$0x2], $0x6400, $0x38;
	[tilespmem:$0x1A500] =	vst v63  }
0x38: {  	_ =	swait.ge [sflag:s10], $0x6400  }
0x39: {  	[sflag:s10] =	ssyncset.done $0x0  }
0x3a: {  	[sflag:s10] =	ssyncadd.s32 $0xFFFF9C00  }
0x3b: {  	_ =	sfence.sel $0x180000  }
0x3c: {  	[bflag:$0x0] =	sbarrier.arrive $0xFFFF  }
0x3d: {  	p0 =	sne.s32 s1, $0x0;
	_ =	strace $0x90000047  }
0x3e: {  	s0 =	sadd.s32 @!p0 $0x100000, s0;
	[bflag:$0x2] =	sbarrier.arrive $0xFFFF  }
0x3f: {  	[sflag:s0] =	ssyncadd.tile.s32 @!p0 $0x1;
	_ =	shalt  }
.Lfunc_end2:
_tile_overlayer_lowered:
.L_overlay_start_2:
0x40: {  	(tag) =	ssettag $0x2  }
0x41: {  	s0 =	rddreg [dreg:$0x0];
	s2 =	stileid.u32  }
0x42: {  	s1 =	rddreg [dreg:$0x1];
	p0 =	sne.s32 s2, $0x0  }
0x43: {  	s3 =	rddreg [dreg:$0x2];
	[bflag:$0x3] =	sbarrier.arrive $0xFFFF;
	s2 =	simm.s32 @!p0 $0x1C02  }
0x44: {  	[timem:s3], [sflag:s2] =	dma.local @!p0 [hbm:s0], s1  }
0x45: {  	s0 =	simm.s32 @!p0 $0x2  }
0x46: {  	_ =	swait.ge @!p0 [sflag:s0], s1  }
0x47: {  	s1 =	ssub.s32 @!p0 $0x0, s1;
	[sflag:s0] =	ssyncset.done @!p0 $0x0  }
0x48: {  	[sflag:s0] =	ssyncadd.s32 @!p0 s1  }
0x49: {  	[bflag:$0x3] =	sbarrier.arrive $0xFFFF  }
0x4a: {  	_ =	shalt  }

</sc_bundles>
